<compile_context>
chip_gen: v7x
topology: tpu7x:2x2x1
jax: 0.10.2.dev20260603
libtpu: 0.0.44.dev20260713+nightly
codegen_flags: <defaults>
</compile_context>

<pallas_src>
import functools

import jax
import jax.numpy as jnp
from jax import lax
from jax.experimental import pallas as pl
from jax.experimental.pallas import tpu as pltpu
from jax.experimental.pallas import tpu_sc as plsc

_ROW_BLK = 1024
_TILE_R = 128


def _sc_emb_fill(temb_hbm, idx_hbm, out_hbm, idx_v, tile_v, gsem, ssem):
    info = plsc.get_sparse_core_info()
    nc, ns = info.num_cores, info.num_subcores
    nw = nc * ns
    n, d_out = out_hbm.shape
    d_emb = temb_hbm.shape[-1]
    d_in = d_out - d_emb
    rows_per_w = n // nw
    wid = lax.axis_index("s") * nc + lax.axis_index("c")
    base = wid * rows_per_w

    pltpu.sync_copy(idx_hbm, idx_v)
    pltpu.async_copy(temb_hbm.at[idx_v], tile_v, gsem).wait()

    copies = [
        pltpu.async_copy(
            tile_v,
            out_hbm.at[pl.ds(base + t * _TILE_R, _TILE_R), pl.ds(d_in, d_emb)],
            ssem,
        )
        for t in range(rows_per_w // _TILE_R)
    ]
    for cp in copies:
        cp.start()
    for cp in copies:
        cp.wait()


def _tc_fill_x(x_ref, out0_ref, out_ref):
    del out0_ref
    out_ref[...] = x_ref[...]


def kernel(x, type_emb, index):
    b, s, d = x.shape
    n = b * s
    d_emb = type_emb.shape[-1]
    x2 = x.reshape(n, d)
    idx_arr = jnp.full((_TILE_R,), index, dtype=jnp.int32)

    mesh = plsc.VectorSubcoreMesh(core_axis_name="c", subcore_axis_name="s")
    sc_fill = pl.kernel(
        _sc_emb_fill,
        out_type=jax.ShapeDtypeStruct((n, d + d_emb), x.dtype),
        mesh=mesh,
        scratch_types=[
            pltpu.VMEM((_TILE_R,), jnp.int32),
            pltpu.VMEM((_TILE_R, d_emb), x.dtype),
            pltpu.SemaphoreType.DMA,
            pltpu.SemaphoreType.DMA,
        ],
    )
    out0 = sc_fill(type_emb, idx_arr)

    out = pl.pallas_call(
        _tc_fill_x,
        grid=(n // _ROW_BLK,),
        in_specs=[
            pl.BlockSpec((_ROW_BLK, d), lambda i: (i, 0)),
            pl.BlockSpec(memory_space=pl.ANY),
        ],
        out_specs=pl.BlockSpec((_ROW_BLK, d), lambda i: (i, 0)),
        out_shape=jax.ShapeDtypeStruct((n, d + d_emb), x.dtype),
        input_output_aliases={1: 0},
    )(x2, out0)
    return out.reshape(b, s, d + d_emb)

# --- scband reference (transcript-rebuilt; emitter-appended) ---
"""Pipeline reference for scband-mdl-emb-cat-36155034698195 (READ-ONLY COPY).

The authoritative reference and input builder live on the scoring server;
editing this copy changes nothing except your own understanding.
"""

import jax, jax.numpy as jnp
import numpy as np


def setup_inputs(seed: int = 0) -> dict:
    key = jax.random.key(seed)
    k1, k2 = jax.random.split(key)
    x = jax.random.normal(k1, (4, 8192, 2048), dtype=jnp.float32)
    # learned parameter: type embedding table [num_type=2, emb_dim=256]
    type_emb = jax.random.normal(k2, (2, 256), dtype=jnp.float32)
    index = 1
    return {"x": x, "type_emb": type_emb, "index": index}


def reference(x, type_emb, index):
    # torch.full(x.shape[:-1], index) -> embedding lookup -> concat on last dim
    idx = jnp.full(x.shape[:-1], index, dtype=jnp.int32)
    emb = jnp.take(type_emb, idx, axis=0)  # [B, S, emb_dim]
    return jnp.concatenate((x, emb), axis=-1)

if __name__ == "__main__":
    import jax
    _d = setup_inputs()
    print(jax.jit(kernel)(*tuple(_d.values())))

</pallas_src>

<mosaic_0001>
#map = affine_map<(d0, d1) -> (0, 0)>
#map1 = affine_map<(d0, d1) -> (0)>
module attributes {stable_mosaic.version = 14 : i64} {
  func.func @_sc_emb_fill(%arg0: i32, %arg1: i32, %arg2: memref<2x256xf32, #tpu.memory_space<hbm>>, %arg3: memref<128xi32, #tpu.memory_space<hbm>>, %arg4: memref<32768x2304xf32, #tpu.memory_space<hbm>>, %arg5: memref<128xi32, #tpu.memory_space<vmem>>, %arg6: memref<128x256xf32, #tpu.memory_space<vmem>>, %arg7: memref<!tpu.dma_semaphore, #tpu.memory_space<semaphore_mem>>, %arg8: memref<!tpu.dma_semaphore, #tpu.memory_space<semaphore_mem>>) attributes {dimension_semantics = [#tpu.dimension_semantics<core_parallel>, #tpu.dimension_semantics<subcore_parallel>], iteration_bounds = array<i64: 2, 16>, scalar_prefetch = 0 : i64, scratch_operands = 4 : i64, tpu.core_type = #tpu.core_type<sc_vector_subcore>, window_params = [{transform_indices = #map}, {transform_indices = #map1}, {transform_indices = #map}]} {
    %mul3A = arith.constant 2 : i32
    %mul3A_0 = arith.muli %arg1, %mul3A : i32
    %add3A = arith.addi %mul3A_0, %arg0 : i32
    %mul3A_1 = arith.constant 1024 : i32
    %mul3A_2 = arith.muli %add3A, %mul3A_1 : i32
    "tpu.region"() ({
      %run_scoped3A = tpu.sem_alloc : memref<!tpu.dma_semaphore, #tpu.memory_space<semaphore_mem>>
      tpu.enqueue_dma source(%arg3 : memref<128xi32, #tpu.memory_space<hbm>>) target(%arg5 : memref<128xi32, #tpu.memory_space<vmem>>) target_semaphore(%run_scoped3A : memref<!tpu.dma_semaphore, #tpu.memory_space<semaphore_mem>>)
      tpu.wait_dma2 semaphore(%run_scoped3A : memref<!tpu.dma_semaphore, #tpu.memory_space<semaphore_mem>>) src(%arg3 : memref<128xi32, #tpu.memory_space<hbm>>) dst(%arg5 : memref<128xi32, #tpu.memory_space<vmem>>)
      tpu.yield
    }) : () -> ()
    %dma_start3A = arith.constant 0 : i32
    %dma_start3A_3 = arith.constant 0 : i32
    %dma_start3A_4 = tpu.memref_slice %arg2[%dma_start3A, %dma_start3A_3] : memref<2x256xf32, #tpu.memory_space<hbm>> -> memref<2x256xf32, #tpu.memory_space<hbm>>
    tpu.enqueue_indirect_dma source(%dma_start3A_4 : memref<2x256xf32, #tpu.memory_space<hbm>>) target(%arg6 : memref<128x256xf32, #tpu.memory_space<vmem>>) offsets(%arg5 : memref<128xi32, #tpu.memory_space<vmem>>) semaphore(%arg7 : memref<!tpu.dma_semaphore, #tpu.memory_space<semaphore_mem>>)
    %dma_wait3A = arith.constant 0 : i32
    %dma_wait3A_5 = arith.constant 0 : i32
    %dma_wait3A_6 = tpu.memref_slice %arg2[%dma_wait3A, %dma_wait3A_5] : memref<2x256xf32, #tpu.memory_space<hbm>> -> memref<2x256xf32, #tpu.memory_space<hbm>>
    tpu.wait_indirect_dma semaphore(%arg7 : memref<!tpu.dma_semaphore, #tpu.memory_space<semaphore_mem>>) src(%dma_wait3A_6 : memref<2x256xf32, #tpu.memory_space<hbm>>) dst(%arg6 : memref<128x256xf32, #tpu.memory_space<vmem>>)
    %add3A_7 = arith.constant 0 : i32
    %add3A_8 = arith.addi %mul3A_2, %add3A_7 : i32
    %dma_start3A_9 = arith.constant 2048 : i32
    %dma_start3A_10 = tpu.memref_slice %arg4[%add3A_8, %dma_start3A_9] : memref<32768x2304xf32, #tpu.memory_space<hbm>> -> memref<128x256xf32, #tpu.memory_space<hbm>>
    %dma_start3A_11 = arith.constant 2048 : i32
    %dma_start3A_12 = tpu.memref_slice %arg4[%add3A_8, %dma_start3A_11] : memref<32768x2304xf32, #tpu.memory_space<hbm>> -> memref<128x256xf32, #tpu.memory_space<hbm>>
    tpu.enqueue_dma source(%arg6 : memref<128x256xf32, #tpu.memory_space<vmem>>) target(%dma_start3A_12 : memref<128x256xf32, #tpu.memory_space<hbm>>) target_semaphore(%arg8 : memref<!tpu.dma_semaphore, #tpu.memory_space<semaphore_mem>>)
    %add3A_13 = arith.constant 128 : i32
    %add3A_14 = arith.addi %mul3A_2, %add3A_13 : i32
    %dma_start3A_15 = arith.constant 2048 : i32
    %dma_start3A_16 = tpu.memref_slice %arg4[%add3A_14, %dma_start3A_15] : memref<32768x2304xf32, #tpu.memory_space<hbm>> -> memref<128x256xf32, #tpu.memory_space<hbm>>
    %dma_start3A_17 = arith.constant 2048 : i32
    %dma_start3A_18 = tpu.memref_slice %arg4[%add3A_14, %dma_start3A_17] : memref<32768x2304xf32, #tpu.memory_space<hbm>> -> memref<128x256xf32, #tpu.memory_space<hbm>>
    tpu.enqueue_dma source(%arg6 : memref<128x256xf32, #tpu.memory_space<vmem>>) target(%dma_start3A_18 : memref<128x256xf32, #tpu.memory_space<hbm>>) target_semaphore(%arg8 : memref<!tpu.dma_semaphore, #tpu.memory_space<semaphore_mem>>)
    %add3A_19 = arith.constant 256 : i32
    %add3A_20 = arith.addi %mul3A_2, %add3A_19 : i32
    %dma_start3A_21 = arith.constant 2048 : i32
    %dma_start3A_22 = tpu.memref_slice %arg4[%add3A_20, %dma_start3A_21] : memref<32768x2304xf32, #tpu.memory_space<hbm>> -> memref<128x256xf32, #tpu.memory_space<hbm>>
    %dma_start3A_23 = arith.constant 2048 : i32
    %dma_start3A_24 = tpu.memref_slice %arg4[%add3A_20, %dma_start3A_23] : memref<32768x2304xf32, #tpu.memory_space<hbm>> -> memref<128x256xf32, #tpu.memory_space<hbm>>
    tpu.enqueue_dma source(%arg6 : memref<128x256xf32, #tpu.memory_space<vmem>>) target(%dma_start3A_24 : memref<128x256xf32, #tpu.memory_space<hbm>>) target_semaphore(%arg8 : memref<!tpu.dma_semaphore, #tpu.memory_space<semaphore_mem>>)
    %add3A_25 = arith.constant 384 : i32
    %add3A_26 = arith.addi %mul3A_2, %add3A_25 : i32
    %dma_start3A_27 = arith.constant 2048 : i32
    %dma_start3A_28 = tpu.memref_slice %arg4[%add3A_26, %dma_start3A_27] : memref<32768x2304xf32, #tpu.memory_space<hbm>> -> memref<128x256xf32, #tpu.memory_space<hbm>>
    %dma_start3A_29 = arith.constant 2048 : i32
    %dma_start3A_30 = tpu.memref_slice %arg4[%add3A_26, %dma_start3A_29] : memref<32768x2304xf32, #tpu.memory_space<hbm>> -> memref<128x256xf32, #tpu.memory_space<hbm>>
    tpu.enqueue_dma source(%arg6 : memref<128x256xf32, #tpu.memory_space<vmem>>) target(%dma_start3A_30 : memref<128x256xf32, #tpu.memory_space<hbm>>) target_semaphore(%arg8 : memref<!tpu.dma_semaphore, #tpu.memory_space<semaphore_mem>>)
    %add3A_31 = arith.constant 512 : i32
    %add3A_32 = arith.addi %mul3A_2, %add3A_31 : i32
    %dma_start3A_33 = arith.constant 2048 : i32
    %dma_start3A_34 = tpu.memref_slice %arg4[%add3A_32, %dma_start3A_33] : memref<32768x2304xf32, #tpu.memory_space<hbm>> -> memref<128x256xf32, #tpu.memory_space<hbm>>
    %dma_start3A_35 = arith.constant 2048 : i32
    %dma_start3A_36 = tpu.memref_slice %arg4[%add3A_32, %dma_start3A_35] : memref<32768x2304xf32, #tpu.memory_space<hbm>> -> memref<128x256xf32, #tpu.memory_space<hbm>>
    tpu.enqueue_dma source(%arg6 : memref<128x256xf32, #tpu.memory_space<vmem>>) target(%dma_start3A_36 : memref<128x256xf32, #tpu.memory_space<hbm>>) target_semaphore(%arg8 : memref<!tpu.dma_semaphore, #tpu.memory_space<semaphore_mem>>)
    %add3A_37 = arith.constant 640 : i32
    %add3A_38 = arith.addi %mul3A_2, %add3A_37 : i32
    %dma_start3A_39 = arith.constant 2048 : i32
    %dma_start3A_40 = tpu.memref_slice %arg4[%add3A_38, %dma_start3A_39] : memref<32768x2304xf32, #tpu.memory_space<hbm>> -> memref<128x256xf32, #tpu.memory_space<hbm>>
    %dma_start3A_41 = arith.constant 2048 : i32
    %dma_start3A_42 = tpu.memref_slice %arg4[%add3A_38, %dma_start3A_41] : memref<32768x2304xf32, #tpu.memory_space<hbm>> -> memref<128x256xf32, #tpu.memory_space<hbm>>
    tpu.enqueue_dma source(%arg6 : memref<128x256xf32, #tpu.memory_space<vmem>>) target(%dma_start3A_42 : memref<128x256xf32, #tpu.memory_space<hbm>>) target_semaphore(%arg8 : memref<!tpu.dma_semaphore, #tpu.memory_space<semaphore_mem>>)
    %add3A_43 = arith.constant 768 : i32
    %add3A_44 = arith.addi %mul3A_2, %add3A_43 : i32
    %dma_start3A_45 = arith.constant 2048 : i32
    %dma_start3A_46 = tpu.memref_slice %arg4[%add3A_44, %dma_start3A_45] : memref<32768x2304xf32, #tpu.memory_space<hbm>> -> memref<128x256xf32, #tpu.memory_space<hbm>>
    %dma_start3A_47 = arith.constant 2048 : i32
    %dma_start3A_48 = tpu.memref_slice %arg4[%add3A_44, %dma_start3A_47] : memref<32768x2304xf32, #tpu.memory_space<hbm>> -> memref<128x256xf32, #tpu.memory_space<hbm>>
    tpu.enqueue_dma source(%arg6 : memref<128x256xf32, #tpu.memory_space<vmem>>) target(%dma_start3A_48 : memref<128x256xf32, #tpu.memory_space<hbm>>) target_semaphore(%arg8 : memref<!tpu.dma_semaphore, #tpu.memory_space<semaphore_mem>>)
    %add3A_49 = arith.constant 896 : i32
    %add3A_50 = arith.addi %mul3A_2, %add3A_49 : i32
    %dma_start3A_51 = arith.constant 2048 : i32
    %dma_start3A_52 = tpu.memref_slice %arg4[%add3A_50, %dma_start3A_51] : memref<32768x2304xf32, #tpu.memory_space<hbm>> -> memref<128x256xf32, #tpu.memory_space<hbm>>
    %dma_start3A_53 = arith.constant 2048 : i32
    %dma_start3A_54 = tpu.memref_slice %arg4[%add3A_50, %dma_start3A_53] : memref<32768x2304xf32, #tpu.memory_space<hbm>> -> memref<128x256xf32, #tpu.memory_space<hbm>>
    tpu.enqueue_dma source(%arg6 : memref<128x256xf32, #tpu.memory_space<vmem>>) target(%dma_start3A_54 : memref<128x256xf32, #tpu.memory_space<hbm>>) target_semaphore(%arg8 : memref<!tpu.dma_semaphore, #tpu.memory_space<semaphore_mem>>)
    %dma_start3A_55 = arith.constant 2048 : i32
    %dma_start3A_56 = tpu.memref_slice %arg4[%add3A_8, %dma_start3A_55] : memref<32768x2304xf32, #tpu.memory_space<hbm>> -> memref<128x256xf32, #tpu.memory_space<hbm>>
    %dma_start3A_57 = arith.constant 2048 : i32
    %dma_start3A_58 = tpu.memref_slice %arg4[%add3A_8, %dma_start3A_57] : memref<32768x2304xf32, #tpu.memory_space<hbm>> -> memref<128x256xf32, #tpu.memory_space<hbm>>
    tpu.enqueue_dma source(%arg6 : memref<128x256xf32, #tpu.memory_space<vmem>>) target(%dma_start3A_58 : memref<128x256xf32, #tpu.memory_space<hbm>>) target_semaphore(%arg8 : memref<!tpu.dma_semaphore, #tpu.memory_space<semaphore_mem>>)
    %dma_start3A_59 = arith.constant 2048 : i32
    %dma_start3A_60 = tpu.memref_slice %arg4[%add3A_14, %dma_start3A_59] : memref<32768x2304xf32, #tpu.memory_space<hbm>> -> memref<128x256xf32, #tpu.memory_space<hbm>>
    %dma_start3A_61 = arith.constant 2048 : i32
    %dma_start3A_62 = tpu.memref_slice %arg4[%add3A_14, %dma_start3A_61] : memref<32768x2304xf32, #tpu.memory_space<hbm>> -> memref<128x256xf32, #tpu.memory_space<hbm>>
    tpu.enqueue_dma source(%arg6 : memref<128x256xf32, #tpu.memory_space<vmem>>) target(%dma_start3A_62 : memref<128x256xf32, #tpu.memory_space<hbm>>) target_semaphore(%arg8 : memref<!tpu.dma_semaphore, #tpu.memory_space<semaphore_mem>>)
    %dma_start3A_63 = arith.constant 2048 : i32
    %dma_start3A_64 = tpu.memref_slice %arg4[%add3A_20, %dma_start3A_63] : memref<32768x2304xf32, #tpu.memory_space<hbm>> -> memref<128x256xf32, #tpu.memory_space<hbm>>
    %dma_start3A_65 = arith.constant 2048 : i32
    %dma_start3A_66 = tpu.memref_slice %arg4[%add3A_20, %dma_start3A_65] : memref<32768x2304xf32, #tpu.memory_space<hbm>> -> memref<128x256xf32, #tpu.memory_space<hbm>>
    tpu.enqueue_dma source(%arg6 : memref<128x256xf32, #tpu.memory_space<vmem>>) target(%dma_start3A_66 : memref<128x256xf32, #tpu.memory_space<hbm>>) target_semaphore(%arg8 : memref<!tpu.dma_semaphore, #tpu.memory_space<semaphore_mem>>)
    %dma_start3A_67 = arith.constant 2048 : i32
    %dma_start3A_68 = tpu.memref_slice %arg4[%add3A_26, %dma_start3A_67] : memref<32768x2304xf32, #tpu.memory_space<hbm>> -> memref<128x256xf32, #tpu.memory_space<hbm>>
    %dma_start3A_69 = arith.constant 2048 : i32
    %dma_start3A_70 = tpu.memref_slice %arg4[%add3A_26, %dma_start3A_69] : memref<32768x2304xf32, #tpu.memory_space<hbm>> -> memref<128x256xf32, #tpu.memory_space<hbm>>
    tpu.enqueue_dma source(%arg6 : memref<128x256xf32, #tpu.memory_space<vmem>>) target(%dma_start3A_70 : memref<128x256xf32, #tpu.memory_space<hbm>>) target_semaphore(%arg8 : memref<!tpu.dma_semaphore, #tpu.memory_space<semaphore_mem>>)
    %dma_start3A_71 = arith.constant 2048 : i32
    %dma_start3A_72 = tpu.memref_slice %arg4[%add3A_32, %dma_start3A_71] : memref<32768x2304xf32, #tpu.memory_space<hbm>> -> memref<128x256xf32, #tpu.memory_space<hbm>>
    %dma_start3A_73 = arith.constant 2048 : i32
    %dma_start3A_74 = tpu.memref_slice %arg4[%add3A_32, %dma_start3A_73] : memref<32768x2304xf32, #tpu.memory_space<hbm>> -> memref<128x256xf32, #tpu.memory_space<hbm>>
    tpu.enqueue_dma source(%arg6 : memref<128x256xf32, #tpu.memory_space<vmem>>) target(%dma_start3A_74 : memref<128x256xf32, #tpu.memory_space<hbm>>) target_semaphore(%arg8 : memref<!tpu.dma_semaphore, #tpu.memory_space<semaphore_mem>>)
    %dma_start3A_75 = arith.constant 2048 : i32
    %dma_start3A_76 = tpu.memref_slice %arg4[%add3A_38, %dma_start3A_75] : memref<32768x2304xf32, #tpu.memory_space<hbm>> -> memref<128x256xf32, #tpu.memory_space<hbm>>
    %dma_start3A_77 = arith.constant 2048 : i32
    %dma_start3A_78 = tpu.memref_slice %arg4[%add3A_38, %dma_start3A_77] : memref<32768x2304xf32, #tpu.memory_space<hbm>> -> memref<128x256xf32, #tpu.memory_space<hbm>>
    tpu.enqueue_dma source(%arg6 : memref<128x256xf32, #tpu.memory_space<vmem>>) target(%dma_start3A_78 : memref<128x256xf32, #tpu.memory_space<hbm>>) target_semaphore(%arg8 : memref<!tpu.dma_semaphore, #tpu.memory_space<semaphore_mem>>)
    %dma_start3A_79 = arith.constant 2048 : i32
    %dma_start3A_80 = tpu.memref_slice %arg4[%add3A_44, %dma_start3A_79] : memref<32768x2304xf32, #tpu.memory_space<hbm>> -> memref<128x256xf32, #tpu.memory_space<hbm>>
    %dma_start3A_81 = arith.constant 2048 : i32
    %dma_start3A_82 = tpu.memref_slice %arg4[%add3A_44, %dma_start3A_81] : memref<32768x2304xf32, #tpu.memory_space<hbm>> -> memref<128x256xf32, #tpu.memory_space<hbm>>
    tpu.enqueue_dma source(%arg6 : memref<128x256xf32, #tpu.memory_space<vmem>>) target(%dma_start3A_82 : memref<128x256xf32, #tpu.memory_space<hbm>>) target_semaphore(%arg8 : memref<!tpu.dma_semaphore, #tpu.memory_space<semaphore_mem>>)
    %dma_start3A_83 = arith.constant 2048 : i32
    %dma_start3A_84 = tpu.memref_slice %arg4[%add3A_50, %dma_start3A_83] : memref<32768x2304xf32, #tpu.memory_space<hbm>> -> memref<128x256xf32, #tpu.memory_space<hbm>>
    %dma_start3A_85 = arith.constant 2048 : i32
    %dma_start3A_86 = tpu.memref_slice %arg4[%add3A_50, %dma_start3A_85] : memref<32768x2304xf32, #tpu.memory_space<hbm>> -> memref<128x256xf32, #tpu.memory_space<hbm>>
    tpu.enqueue_dma source(%arg6 : memref<128x256xf32, #tpu.memory_space<vmem>>) target(%dma_start3A_86 : memref<128x256xf32, #tpu.memory_space<hbm>>) target_semaphore(%arg8 : memref<!tpu.dma_semaphore, #tpu.memory_space<semaphore_mem>>)
    %dma_wait3A_87 = arith.constant 2048 : i32
    %dma_wait3A_88 = tpu.memref_slice %arg4[%add3A_8, %dma_wait3A_87] : memref<32768x2304xf32, #tpu.memory_space<hbm>> -> memref<128x256xf32, #tpu.memory_space<hbm>>
    %dma_wait3A_89 = arith.constant 2048 : i32
    %dma_wait3A_90 = tpu.memref_slice %arg4[%add3A_8, %dma_wait3A_89] : memref<32768x2304xf32, #tpu.memory_space<hbm>> -> memref<128x256xf32, #tpu.memory_space<hbm>>
    tpu.wait_dma2 semaphore(%arg8 : memref<!tpu.dma_semaphore, #tpu.memory_space<semaphore_mem>>) src(%arg6 : memref<128x256xf32, #tpu.memory_space<vmem>>) dst(%dma_wait3A_90 : memref<128x256xf32, #tpu.memory_space<hbm>>)
    %dma_wait3A_91 = arith.constant 2048 : i32
    %dma_wait3A_92 = tpu.memref_slice %arg4[%add3A_14, %dma_wait3A_91] : memref<32768x2304xf32, #tpu.memory_space<hbm>> -> memref<128x256xf32, #tpu.memory_space<hbm>>
    %dma_wait3A_93 = arith.constant 2048 : i32
    %dma_wait3A_94 = tpu.memref_slice %arg4[%add3A_14, %dma_wait3A_93] : memref<32768x2304xf32, #tpu.memory_space<hbm>> -> memref<128x256xf32, #tpu.memory_space<hbm>>
    tpu.wait_dma2 semaphore(%arg8 : memref<!tpu.dma_semaphore, #tpu.memory_space<semaphore_mem>>) src(%arg6 : memref<128x256xf32, #tpu.memory_space<vmem>>) dst(%dma_wait3A_94 : memref<128x256xf32, #tpu.memory_space<hbm>>)
    %dma_wait3A_95 = arith.constant 2048 : i32
    %dma_wait3A_96 = tpu.memref_slice %arg4[%add3A_20, %dma_wait3A_95] : memref<32768x2304xf32, #tpu.memory_space<hbm>> -> memref<128x256xf32, #tpu.memory_space<hbm>>
    %dma_wait3A_97 = arith.constant 2048 : i32
    %dma_wait3A_98 = tpu.memref_slice %arg4[%add3A_20, %dma_wait3A_97] : memref<32768x2304xf32, #tpu.memory_space<hbm>> -> memref<128x256xf32, #tpu.memory_space<hbm>>
    tpu.wait_dma2 semaphore(%arg8 : memref<!tpu.dma_semaphore, #tpu.memory_space<semaphore_mem>>) src(%arg6 : memref<128x256xf32, #tpu.memory_space<vmem>>) dst(%dma_wait3A_98 : memref<128x256xf32, #tpu.memory_space<hbm>>)
    %dma_wait3A_99 = arith.constant 2048 : i32
    %dma_wait3A_100 = tpu.memref_slice %arg4[%add3A_26, %dma_wait3A_99] : memref<32768x2304xf32, #tpu.memory_space<hbm>> -> memref<128x256xf32, #tpu.memory_space<hbm>>
    %dma_wait3A_101 = arith.constant 2048 : i32
    %dma_wait3A_102 = tpu.memref_slice %arg4[%add3A_26, %dma_wait3A_101] : memref<32768x2304xf32, #tpu.memory_space<hbm>> -> memref<128x256xf32, #tpu.memory_space<hbm>>
    tpu.wait_dma2 semaphore(%arg8 : memref<!tpu.dma_semaphore, #tpu.memory_space<semaphore_mem>>) src(%arg6 : memref<128x256xf32, #tpu.memory_space<vmem>>) dst(%dma_wait3A_102 : memref<128x256xf32, #tpu.memory_space<hbm>>)
    %dma_wait3A_103 = arith.constant 2048 : i32
    %dma_wait3A_104 = tpu.memref_slice %arg4[%add3A_32, %dma_wait3A_103] : memref<32768x2304xf32, #tpu.memory_space<hbm>> -> memref<128x256xf32, #tpu.memory_space<hbm>>
    %dma_wait3A_105 = arith.constant 2048 : i32
    %dma_wait3A_106 = tpu.memref_slice %arg4[%add3A_32, %dma_wait3A_105] : memref<32768x2304xf32, #tpu.memory_space<hbm>> -> memref<128x256xf32, #tpu.memory_space<hbm>>
    tpu.wait_dma2 semaphore(%arg8 : memref<!tpu.dma_semaphore, #tpu.memory_space<semaphore_mem>>) src(%arg6 : memref<128x256xf32, #tpu.memory_space<vmem>>) dst(%dma_wait3A_106 : memref<128x256xf32, #tpu.memory_space<hbm>>)
    %dma_wait3A_107 = arith.constant 2048 : i32
    %dma_wait3A_108 = tpu.memref_slice %arg4[%add3A_38, %dma_wait3A_107] : memref<32768x2304xf32, #tpu.memory_space<hbm>> -> memref<128x256xf32, #tpu.memory_space<hbm>>
    %dma_wait3A_109 = arith.constant 2048 : i32
    %dma_wait3A_110 = tpu.memref_slice %arg4[%add3A_38, %dma_wait3A_109] : memref<32768x2304xf32, #tpu.memory_space<hbm>> -> memref<128x256xf32, #tpu.memory_space<hbm>>
    tpu.wait_dma2 semaphore(%arg8 : memref<!tpu.dma_semaphore, #tpu.memory_space<semaphore_mem>>) src(%arg6 : memref<128x256xf32, #tpu.memory_space<vmem>>) dst(%dma_wait3A_110 : memref<128x256xf32, #tpu.memory_space<hbm>>)
    %dma_wait3A_111 = arith.constant 2048 : i32
    %dma_wait3A_112 = tpu.memref_slice %arg4[%add3A_44, %dma_wait3A_111] : memref<32768x2304xf32, #tpu.memory_space<hbm>> -> memref<128x256xf32, #tpu.memory_space<hbm>>
    %dma_wait3A_113 = arith.constant 2048 : i32
    %dma_wait3A_114 = tpu.memref_slice %arg4[%add3A_44, %dma_wait3A_113] : memref<32768x2304xf32, #tpu.memory_space<hbm>> -> memref<128x256xf32, #tpu.memory_space<hbm>>
    tpu.wait_dma2 semaphore(%arg8 : memref<!tpu.dma_semaphore, #tpu.memory_space<semaphore_mem>>) src(%arg6 : memref<128x256xf32, #tpu.memory_space<vmem>>) dst(%dma_wait3A_114 : memref<128x256xf32, #tpu.memory_space<hbm>>)
    %dma_wait3A_115 = arith.constant 2048 : i32
    %dma_wait3A_116 = tpu.memref_slice %arg4[%add3A_50, %dma_wait3A_115] : memref<32768x2304xf32, #tpu.memory_space<hbm>> -> memref<128x256xf32, #tpu.memory_space<hbm>>
    %dma_wait3A_117 = arith.constant 2048 : i32
    %dma_wait3A_118 = tpu.memref_slice %arg4[%add3A_50, %dma_wait3A_117] : memref<32768x2304xf32, #tpu.memory_space<hbm>> -> memref<128x256xf32, #tpu.memory_space<hbm>>
    tpu.wait_dma2 semaphore(%arg8 : memref<!tpu.dma_semaphore, #tpu.memory_space<semaphore_mem>>) src(%arg6 : memref<128x256xf32, #tpu.memory_space<vmem>>) dst(%dma_wait3A_118 : memref<128x256xf32, #tpu.memory_space<hbm>>)
    return
  }
}

module attributes {stable_mosaic.version = 14 : i64} {
  func.func @_tc_fill_x(%arg0: i32, %arg1: memref<1024x2048xf32, #tpu.memory_space<vmem>>, %arg2: memref<32768x2304xf32, #tpu.memory_space<any>>, %arg3: memref<1024x2048xf32, #tpu.memory_space<vmem>>) attributes {dimension_semantics = [#tpu.dimension_semantics<arbitrary>], iteration_bounds = array<i64: 32>, scalar_prefetch = 0 : i64, scratch_operands = 0 : i64, tpu.core_type = #tpu.core_type<tc>, window_params = [{transform_indices = @transform_0, window_bounds = array<i64: 1024, 2048>}, {}, {transform_indices = @transform_2, window_bounds = array<i64: 1024, 2048>}]} {
    %get3A = arith.constant 0 : index
    %get3A_0 = arith.constant 0 : index
    %get3A_1 = vector.load %arg1[%get3A, %get3A_0] : memref<1024x2048xf32, #tpu.memory_space<vmem>>, vector<1024x2048xf32>
    %swap3A = arith.constant 0 : index
    %swap3A_2 = arith.constant 0 : index
    %swap3A_3 = vector.load %arg3[%swap3A, %swap3A_2] : memref<1024x2048xf32, #tpu.memory_space<vmem>>, vector<1024x2048xf32>
    tpu.vector_store %arg3[%swap3A, %swap3A_2], %get3A_1 {strides = array<i32>} : memref<1024x2048xf32, #tpu.memory_space<vmem>>, vector<1024x2048xf32>,
    return
  }
  func.func @transform_0(%arg0: i32) -> (i32, i32) {
    %c0_i32 = arith.constant 0 : i32
    %c0_i32_0 = arith.constant 0 : i32
    return %arg0, %c0_i32 : i32, i32
  }
  func.func @transform_2(%arg0: i32) -> (i32, i32) {
    %c0_i32 = arith.constant 0 : i32
    %c0_i32_0 = arith.constant 0 : i32
    return %arg0, %c0_i32 : i32, i32
  }
}

</mosaic_0001>

<sc_bundles>
// kernel: kernel.4.cloned.1.call-start
scs
__scs_entry_jumppad:
0x0: {  	(pc) =	sbr.rel $0x88, $3  }
0x1: {  	(tag) =	ssettag $0x0;
	lr =	simm.s32 $0x1  }
0x2: {  	[smem:$0x3F9E] =	sst lr;
	_ =	strace $0xD0000000  }
0x3: {  	_ = 	snop  }
0x4: {  	_ = 	snop  }
0x5: {  	_ = 	snop  }
0x6: {  	_ = 	snop  }
0x7: {  	_ = 	snop  }
__scs_overlays_trampoline_lowered:
0x8: {  	[smem:$0x3FAD] =	sst s0  }
0x9: {  	[smem:$0x3FAE] =	sst s1  }
0xa: {  	[smem:$0x3FAF] =	sst s2  }
0xb: {  	[smem:$0x3FB0] =	sst s3  }
0xc: {  	[smem:$0x3FB1] =	sst s4  }
0xd: {  	[smem:$0x3FB2] =	sst s5  }
0xe: {  	[smem:$0x3FB3] =	sst s6  }
0xf: {  	[smem:$0x3FB4] =	sst s7  }
0x10: {  	[smem:$0x3FB5] =	sst s8  }
0x11: {  	[smem:$0x3FB6] =	sst s9;
	s0 =	simm.s32 @!p0 $0x0  }
0x12: {  	s1 =	sld [smem:$0x3F9C];
	s0 =	simm.s32 @p0 $0x1  }
0x13: {  	[smem:$0x3FB7] =	sst s0;
	s0 =	simm.s32 @!p1 $0x0  }
0x14: {  	s2 =	sld [smem:$0x3F9B];
	s0 =	simm.s32 @p1 $0x1  }
0x15: {  	[smem:$0x3FB8] =	sst s0;
	s0 =	simm.s32 @!p2 $0x0  }
0x16: {  	s3 =	sld [smem:$0x3FDB];
	s0 =	simm.s32 @p2 $0x1  }
0x17: {  	s4 =	simm.s32 $0x1BF5;
	[smem:$0x3FBA] =	sst s0  }
0x18: {  	s0 =	sld [smem:$0x3F9D];
	_ =	swait.ge [sflag:s4], $0x0  }
0x19: {  	s7 =	sld [smem:$0x3F9E]  }
0x1a: {  	s8 =	sadd.s32 $0xFFFFE003, lr  }
0x1b: {  	s9 =	sadd.s32 $0xFFFFFEF7, lr;
	s5 =	simm.s32 $0xFFFFFFFF;
	p2 =	slt.u32 s8, $0xFFFFF086  }
0x1c: {  	p1 =	slt.u32 s9, $0xF7A;
	s5 =	simm.s32 @!p2 $0x0  }
0x1d: {  	s5 =	simm.s32 @p1 $0x1;
	p0 =	seq.s32 s7, s2  }
0x1e: {  	s7 =	smul.u32 @!p0 $0xF7A, s2;
	p2 =	seq.s32 @!p0 s5, $0x0  }
0x1f: {  	s9 =	smul.u32 $0xF7A, s1;
	s8 =	simm.s32 @!p0 $0x1BF5;
	p2 =	por !p2, p0  }
0x20: {  	[sflag:s8] =	ssyncset.s32 @!p0 $0xFFFFF086;
	s6 =	sadd.s32 @!p0 s3, s7;
	s7 =	simm.s32 @!p0 $0x108  }
0x21: {  	s3 =	sadd.s32 s3, s9;
	s6 =	sadd.s32 @!p0 $0x88, s6;
	s7 =	simm.s32 @p2 $0x1082  }
0x22: {  	[simem:s7], [sflag:s8] =	dma.local @!p0 [hbm:s6], $0xF7A  }
0x23: {  	s9 =	sor.u32 $0xD0000000, s2;
	s6 =	simm.s32 $0x108;
	_ =	swait.ge @!p0 [sflag:s8], $0x0  }
0x24: {  	s3 =	sadd.s32 $0x88, s3;
	s6 =	simm.s32 @!p1 $0x1082;
	[sflag:s4] =	ssyncset.s32 $0xFFFFF086  }
0x25: {  	[simem:s6], [sflag:s4] =	dma.local [hbm:s3], $0xF7A  }
0x26: {  	[smem:$0x3F9E] =	sst s1;
	(tag) =	ssettag s2;
	_ =	strace s9  }
0x27: {  	s1 =	sld [smem:$0x3FAE]  }
0x28: {  	s2 =	sld [smem:$0x3FAF]  }
0x29: {  	s4 =	sld [smem:$0x3FB1]  }
0x2a: {  	p0 =	seq.s32 s5, $0x0;
	s5 =	sld [smem:$0x3FB2]  }
0x2b: {  	s6 =	sld [smem:$0x3FB3]  }
0x2c: {  	s7 =	sld [smem:$0x3FB4]  }
0x2d: {  	s3 =	simm.s32 $0x108;
	s8 =	sld [smem:$0x3FB5]  }
0x2e: {  	s3 =	simm.s32 @!p0 $0x1082;
	s9 =	sld [smem:$0x3FB6]  }
0x2f: {  	lr =	sadd.s32 s0, s3;
	s0 =	sld [smem:$0x3FAD]  }
0x30: {  	s3 =	sld [smem:$0x3FB0]  }
0x31: {  	[smem:$0x3FB9] =	sst s10  }
0x32: {  	s10 =	sld [smem:$0x3FB7];
	_ =	sdelay $0x3  }
0x33: {  	p0 =	seq.s32 s10, $0x1;
	s10 =	sld [smem:$0x3FB9];
	_ =	sdelay $0x3  }
0x34: {  	[smem:$0x3FB9] =	sst s10  }
0x35: {  	s10 =	sld [smem:$0x3FB8];
	_ =	sdelay $0x3  }
0x36: {  	p1 =	seq.s32 s10, $0x1;
	s10 =	sld [smem:$0x3FB9];
	_ =	sdelay $0x3  }
0x37: {  	[smem:$0x3FB9] =	sst s10  }
0x38: {  	s10 =	sld [smem:$0x3FBA]  }
0x39: {  	_ = 	snop;
	(pc) =	sbr.ind lr, $3  }
0x3a: {  	_ = 	snop  }
0x3b: {  	_ = 	snop  }
0x3c: {  	p2 =	seq.s32 s10, $0x1;
	s10 =	sld [smem:$0x3FB9]  }
0x3d: {  	_ =	shalt  }
0x3e: {  	_ =	shalt  }
0x3f: {  	_ =	shalt  }
0x40: {  	_ =	shalt  }
0x41: {  	_ =	shalt  }
0x42: {  	_ =	shalt  }
0x43: {  	_ =	shalt  }
0x44: {  	_ =	shalt  }
0x45: {  	_ =	shalt  }
0x46: {  	_ =	shalt  }
0x47: {  	_ =	shalt  }
0x48: {  	_ =	shalt  }
0x49: {  	_ =	shalt  }
0x4a: {  	_ =	shalt  }
0x4b: {  	_ =	shalt  }
0x4c: {  	_ =	shalt  }
0x4d: {  	_ =	shalt  }
0x4e: {  	_ =	shalt  }
0x4f: {  	_ =	shalt  }
0x50: {  	_ =	shalt  }
0x51: {  	_ =	shalt  }
0x52: {  	_ =	shalt  }
0x53: {  	_ =	shalt  }
0x54: {  	_ =	shalt  }
0x55: {  	_ =	shalt  }
0x56: {  	_ =	shalt  }
0x57: {  	_ =	shalt  }
0x58: {  	_ =	shalt  }
0x59: {  	_ =	shalt  }
0x5a: {  	_ =	shalt  }
0x5b: {  	_ =	shalt  }
0x5c: {  	_ =	shalt  }
0x5d: {  	_ =	shalt  }
0x5e: {  	_ =	shalt  }
0x5f: {  	_ =	shalt  }
0x60: {  	_ =	shalt  }
0x61: {  	_ =	shalt  }
0x62: {  	_ =	shalt  }
0x63: {  	_ =	shalt  }
0x64: {  	_ =	shalt  }
0x65: {  	_ =	shalt  }
0x66: {  	_ =	shalt  }
0x67: {  	_ =	shalt  }
0x68: {  	_ =	shalt  }
0x69: {  	_ =	shalt  }
0x6a: {  	_ =	shalt  }
0x6b: {  	_ =	shalt  }
0x6c: {  	_ =	shalt  }
0x6d: {  	_ =	shalt  }
0x6e: {  	_ =	shalt  }
0x6f: {  	_ =	shalt  }
0x70: {  	_ =	shalt  }
0x71: {  	_ =	shalt  }
0x72: {  	_ =	shalt  }
0x73: {  	_ =	shalt  }
0x74: {  	_ =	shalt  }
0x75: {  	_ =	shalt  }
0x76: {  	_ =	shalt  }
0x77: {  	_ =	shalt  }
0x78: {  	_ =	shalt  }
0x79: {  	_ =	shalt  }
0x7a: {  	_ =	shalt  }
0x7b: {  	_ =	shalt  }
0x7c: {  	_ =	shalt  }
0x7d: {  	_ =	shalt  }
0x7e: {  	_ =	shalt  }
0x7f: {  	_ =	shalt  }
0x80: {  	_ =	shalt  }
0x81: {  	_ =	shalt  }
0x82: {  	_ =	shalt  }
0x83: {  	_ =	shalt  }
0x84: {  	_ =	shalt  }
0x85: {  	_ =	shalt  }
0x86: {  	_ =	shalt  }
0x87: {  	_ =	shalt  }
.Lfunc_end0:
.L_simem_size_0:
called_computation_lowered:
.L_overlay_start_0:
0x88: {  	s2 =	sld [smem:$0x3FD9]  }
0x89: {  	s3 =	sld [smem:$0x3FFE];
	_ =	sdelay $0x1  }
0x8a: {  	s1 =	srdreg.scid  }
0x8b: {  	s0 =	sand.u32 $0x1, s1  }
0x8c: {  	s17 =	sshll.u32 s0, $0xA;
	s2 =	sadd.s32 s3, s2  }
0x8d: {  	s2 =	sadd.s32 s2, s17  }
0x8e: {  	[smem:$0x3FC5] =	sst s2  }
0x8f: {  	_ = 	snop  }
0x90: {  	s2 =	sld [smem:$0x3FC8]  }
0x91: {  	s18 =	sld [smem:$0x3FD0];
	(tm) =	ssettm $0x1  }
0x92: {  	s4 =	sld [smem:$0x3FFB];
	_ =	sdelay $0x3  }
0x93: {  	_ =	strace s4  }
0x94: {  	s4 =	sld [smem:$0x3FFC];
	_ =	sdelay $0x3  }
0x95: {  	_ =	strace s4  }
0x96: {  	s4 =	sld [smem:$0x3FFD];
	_ =	sdelay $0x3  }
0x97: {  	_ =	strace s4  }
0x98: {  	_ =	strace $0x8FFFFFFF  }
0x99: {  	s19 =	sld [smem:$0x3FDB];
	_ =	sdelay $0x1  }
0x9a: {  	s5 =	simm.s32 $_scs_section_size  }
0x9b: {  	s6 =	simm.s32 $_size__tile_overlayer_lowered;
	s7 =	simm.s32 $_tile_overlayer_lowered  }
0x9c: {  	s22 =	simm.s32 $0x1BFF;
	s21 =	sshll.u32 s7, $0x1;
	s4 =	sadd.s32 s5, s19  }
0x9d: {  	s8 =	simm.s32 $0x0;
	s20 =	sshll.u32 s6, $0x1;
	s6 =	sadd.s32 s21, s4  }
0x9e: {  	[timem:s8], [sflag:s22] =	dma.local [hbm:s6], s20  }
0x9f: {  	_ =	swait.ge [sflag:s22], s20  }
0xa0: {  	s5 =	ssub.s32 $0x0, s20;
	[sflag:s22] =	ssyncset.done $0x0  }
0xa1: {  	[sflag:s22] =	ssyncadd.s32 s5;
	_ =	sdelay $0x1  }
0xa2: {  	s23 =	simm.s32 $0x1B8B  }
0xa3: {  	_ =	swait.ge [sflag:s23], $0x1  }
0xa4: {  	[sflag:s23] =	ssyncset.done $0x0  }
0xa5: {  	s25 =	simm.s32 $0x1B8E;
	s24 =	sld [smem:$0x3FFE];
	[sflag:s23] =	ssyncadd.s32 $0xFFFFFFFF  }
0xa6: {  	s26 =	simm.s32 $execute0_lowered;
	[smem:$0x3FD2] =	sst s25  }
0xa7: {  	s6 =	sshll.u32 s26, $0x1;
	_ =	strace $0x80000046;
	[dreg:$0x1] =	wrdreg $0xFFFFFFFF  }
0xa8: {  	s28 =	simm.s32 $_size_execute0_lowered;
	s4 =	sadd.s32 s4, s6;
	[dreg:$0x0] =	wrdreg $0x0  }
0xa9: {  	s6 =	sshll.u32 s28, $0x1;
	[dreg:$0x2] =	wrdreg s4  }
0xaa: {  	[dreg:$0x3] =	wrdreg s6  }
0xab: {  	[dreg:$0x4] =	wrdreg $0xC0  }
0xac: {  	_ =	task [dreg:s8], $0x5FFFF  }
0xad: {  	[dreg:$0x1] =	wrdreg $0xFFFFFFFF  }
0xae: {  	[dreg:$0x0] =	wrdreg $0x60  }
0xaf: {  	[dreg:$0x2] =	wrdreg s2  }
0xb0: {  	[dreg:$0x3] =	wrdreg s24  }
0xb1: {  	[dreg:$0x4] =	wrdreg s18  }
0xb2: {  	[dreg:$0x5] =	wrdreg $0x9  }
0xb3: {  	_ =	task.clear_ibuf [dreg:s8], $0x6FFFF;
	_ =	strace $0x90000046  }
0xb4: {  	s29 =	simm.s32 $0x9;
	_ =	strace $0x80000048  }
0xb5: {  	_ =	swait.ge [sflag:s29], $0x1  }
0xb6: {  	[sflag:s29] =	ssyncadd.s32 $0xFFFFFFFF  }
0xb7: {  	_ =	strace $0x90000048  }
0xb8: {  	_ =	sfence  }
0xb9: {  	s30 =	sld [smem:$0x0];
	_ =	sdelay $0x2  }
0xba: {  	s31 =	sshll.u32 s1, $0xD;
	s1 =	sshrl.u32 s1, $0x2  }
0xbb: {  	s3 =	sand.u32 $0x4000, s31;
	s1 =	sadd.s32 s1, s30  }
0xbc: {  	s0 =	sor.u32 s3, s0;
	s1 =	sshll.u32 s1, $0x11  }
0xbd: {  	s0 =	sor.u32 s1, s0  }
0xbe: {  	s0 =	sadd.s32 $0x8F2B, s0  }
0xbf: {  	[sflag:s0] =	ssyncadd.remote.s32 $0x1  }
0xc0: {  	_ =	sfence.sel $0xFFFF  }
0xc1: {  	[dreg:$0x0] =	wrdreg $0xFFFFFFFF;
	(pc) =	sbr.abs _section_cstart, $3  }
0xc2: {  	[dreg:$0x1] =	wrdreg $0xFFFFFFFF  }
0xc3: {  	_ =	task.clear_ibuf [dreg:s8], $0x2FFFF;
	_ =	strace $0x9FFFFFFF  }
0xc4: {  	(tm) =	ssettm $0x7FFFFFFF  }
0xc5: {  	_ =	shalt  }
tec
execute0_lowered:
.L_overlay_start_1:
0x0: {  	(tag) =	ssettag $0x1  }
0x1: {  	s1 =	rddreg [dreg:$0x0]  }
0x2: {  	s2 =	srdreg.scid;
	s4 =	rddreg [dreg:$0x1]  }
0x3: {  	s0 =	stileid.u32;
	s5 =	rddreg [dreg:$0x2];
	s3 =	simm.s32 $0x0  }
0x4: {  	s13 =	simm.s32 $0x3;
	s25 =	simm.s32 $0x880;
	s14 =	simm.s32 $0x80  }
0x5: {  	s26 =	simm.s32 $0x1080;
	s15 =	simm.s32 $0x1880;
	s16 =	simm.s32 $0x2080  }
0x6: {  	s17 =	simm.s32 $0x2880;
	s18 =	simm.s32 $0x3080;
	s19 =	simm.s32 $0x3880  }
0x7: {  	s20 =	simm.s32 $0x4080;
	s21 =	simm.s32 $0x4880;
	s22 =	simm.s32 $0x5080  }
0x8: {  	s28 =	simm.s32 $0x7880;
	s29 =	simm.s32 $0x1;
	s30 =	simm.s32 $0x800  }
0x9: {  	s31 =	simm.s32 $0x4800;
	[smem:$0x7FF] =	sst s3;
	s4 =	sadd.s32 $0x400, s4  }
0xa: {  	s2 =	sand.u32 $0x1, s2;
	_ =	strace $0x80000047;
	[dreg:$0x4] =	wrdreg s4  }
0xb: {  	s6 =	sshll.u32 s0, $0x8;
	s7 =	sshll.u32 s2, $0x7;
	[dreg:$0x5] =	wrdreg s25  }
0xc: {  	s2 =	ssub.s32 $0x2, s2;
	[dreg:$0x6] =	wrdreg s26;
	s6 =	sor.u32 s7, s6  }
0xd: {  	s25 =	simm.s32 $0x6880;
	s24 =	sshrl.u32 s2, $0x1;
	s7 =	smul.u32 $0x4800, s6  }
0xe: {  	s26 =	simm.s32 $0x7080;
	s6 =	smul.u32 $0x900, s6;
	s2 =	ssub.s32 s2, s24  }
0xf: {  	s24 =	simm.s32 $0x6080;
	s12 =	smax.u32 s2, $0x1;
	s23 =	sshrl.u32 s7, $0x3  }
0x10: {  	s2 =	simm.s32 $0x2;
	s6 =	sadd.s32 s6, s5;
	s11 =	sadd.s32 s5, s23  }
0x11: {  	v2 =	vlaneseq.u32;
	s4 =	sadd.s32 $0x800, s6;
	s23 =	simm.s32 $0x5880;
	s5 =	sadd.s32 $0x9800, s11  }
0x12: {  	vm0 =	vmmov $0xffff;
	v1 =	vshrl.u32 v2, $0x3;
	s6 =	sadd.s32 $0x12800, s11;
	s7 =	sadd.s32 $0x1B800, s11;
	s8 =	sadd.s32 $0x24800, s11  }
0x13: {  	v0 =	vand.u32 $0x7, v2;
	v2 =	vor.u32 $0x8, v2;
	v1 =	vmul.u32 $0x2, v1;
	s9 =	sadd.s32 $0x2D800, s11;
	s10 =	sadd.s32 $0x36800, s11;
	s11 =	sadd.s32 $0x3F800, s11  }
.LBB2_1:
0x14: {  	s0 =	rddreg [dreg:$0x4]  }
0x15: {  	[tilespmem:s3], [sflag:$0x3] =	stream.linear.gather [hbm4b:s0+s3], $0x80, $0x38;
	[tilespmem:$0x8080] =	vst v63  }
0x16: {  	_ =	swait.ge [sflag:s13], $0x80  }
0x17: {  	[sflag:s13] =	ssyncset.done $0x0  }
0x18: {  	[sflag:s13] =	ssyncadd.s32 $0xFFFFFF80  }
0x19: {  	v3 =	vld [tilespmem:$0x0];
	_ =	sdelay $0x4  }
0x1a: {  	v4 =	vshll.u32 v3, $0x1  }
0x1b: {  	v3 =	vand.u32 $0x1, v3;
	v4 =	vand.u32 $0xFFFFFFFC, v4  }
0x1c: {  	v3 =	vor.u32 v3, v4  }
0x1d: {  	v4 =	vperm.xlane v3, v0;
	_ =	sdelay $0x1  }
0x1e: {  	v3 =	vperm.xlane v3, v2;
	v4 =	vadd.s32 v1, v4;
	_ =	sdelay $0x1  }
0x1f: {  	v3 =	vadd.s32 v1, v3;
	_ =	sdelay $0x2  }
0x20: {  	[tilespmem:s14], [sflag:$0x1] =	stream.indirect_vreg.gather [hbm4b:s1+s3], $0x80, v4, vm0, $0xb8;
	[tilespmem:$0x8080] =	vst v63  }
0x21: {  	s0 =	rddreg [dreg:$0x5]  }
0x22: {  	[tilespmem:s0], [sflag:$0x1] =	stream.indirect_vreg.gather [hbm4b:s1+s3], $0x80, v3, vm0, $0xb8;
	[tilespmem:$0x8080] =	vst v63  }
0x23: {  	v3 =	vld [tilespmem:$0x10];
	_ =	sdelay $0x4  }
0x24: {  	v57 =	vshll.u32 v3, $0x1  }
0x25: {  	v3 =	vand.u32 $0x1, v3;
	v4 =	vand.u32 $0xFFFFFFFC, v57  }
0x26: {  	v3 =	vor.u32 v3, v4  }
0x27: {  	v4 =	vperm.xlane v3, v0;
	_ =	sdelay $0x1  }
0x28: {  	v3 =	vperm.xlane v3, v2;
	v4 =	vadd.s32 v1, v4;
	_ =	sdelay $0x1  }
0x29: {  	v3 =	vadd.s32 v1, v3;
	_ =	sdelay $0x1  }
0x2a: {  	s0 =	rddreg [dreg:$0x6]  }
0x2b: {  	[tilespmem:s0], [sflag:$0x1] =	stream.indirect_vreg.gather [hbm4b:s1+s3], $0x80, v4, vm0, $0xb8;
	[tilespmem:$0x8080] =	vst v63  }
0x2c: {  	_ = 	snop  }
0x2d: {  	[tilespmem:s15], [sflag:$0x1] =	stream.indirect_vreg.gather [hbm4b:s1+s3], $0x80, v3, vm0, $0xb8;
	[tilespmem:$0x8080] =	vst v63  }
0x2e: {  	v3 =	vld [tilespmem:$0x20];
	_ =	sdelay $0x4  }
0x2f: {  	v58 =	vshll.u32 v3, $0x1  }
0x30: {  	v3 =	vand.u32 $0x1, v3;
	v4 =	vand.u32 $0xFFFFFFFC, v58  }
0x31: {  	v3 =	vor.u32 v3, v4  }
0x32: {  	v4 =	vperm.xlane v3, v0;
	_ =	sdelay $0x1  }
0x33: {  	v3 =	vperm.xlane v3, v2;
	v4 =	vadd.s32 v1, v4;
	_ =	sdelay $0x1  }
0x34: {  	v3 =	vadd.s32 v1, v3;
	_ =	sdelay $0x2  }
0x35: {  	[tilespmem:s16], [sflag:$0x1] =	stream.indirect_vreg.gather [hbm4b:s1+s3], $0x80, v4, vm0, $0xb8;
	[tilespmem:$0x8080] =	vst v63  }
0x36: {  	_ = 	snop  }
0x37: {  	[tilespmem:s17], [sflag:$0x1] =	stream.indirect_vreg.gather [hbm4b:s1+s3], $0x80, v3, vm0, $0xb8;
	[tilespmem:$0x8080] =	vst v63  }
0x38: {  	v3 =	vld [tilespmem:$0x30];
	_ =	sdelay $0x4  }
0x39: {  	v59 =	vshll.u32 v3, $0x1  }
0x3a: {  	v3 =	vand.u32 $0x1, v3;
	v4 =	vand.u32 $0xFFFFFFFC, v59  }
0x3b: {  	v3 =	vor.u32 v3, v4  }
0x3c: {  	v4 =	vperm.xlane v3, v0;
	_ =	sdelay $0x1  }
0x3d: {  	v3 =	vperm.xlane v3, v2;
	v4 =	vadd.s32 v1, v4;
	_ =	sdelay $0x1  }
0x3e: {  	v3 =	vadd.s32 v1, v3;
	_ =	sdelay $0x2  }
0x3f: {  	[tilespmem:s18], [sflag:$0x1] =	stream.indirect_vreg.gather [hbm4b:s1+s3], $0x80, v4, vm0, $0xb8;
	[tilespmem:$0x8080] =	vst v63  }
0x40: {  	_ = 	snop  }
0x41: {  	[tilespmem:s19], [sflag:$0x1] =	stream.indirect_vreg.gather [hbm4b:s1+s3], $0x80, v3, vm0, $0xb8;
	[tilespmem:$0x8080] =	vst v63  }
0x42: {  	v3 =	vld [tilespmem:$0x40];
	_ =	sdelay $0x4  }
0x43: {  	v60 =	vshll.u32 v3, $0x1  }
0x44: {  	v3 =	vand.u32 $0x1, v3;
	v4 =	vand.u32 $0xFFFFFFFC, v60  }
0x45: {  	v3 =	vor.u32 v3, v4  }
0x46: {  	v4 =	vperm.xlane v3, v0;
	_ =	sdelay $0x1  }
0x47: {  	v3 =	vperm.xlane v3, v2;
	v4 =	vadd.s32 v1, v4;
	_ =	sdelay $0x1  }
0x48: {  	v3 =	vadd.s32 v1, v3;
	_ =	sdelay $0x2  }
0x49: {  	[tilespmem:s20], [sflag:$0x1] =	stream.indirect_vreg.gather [hbm4b:s1+s3], $0x80, v4, vm0, $0xb8;
	[tilespmem:$0x8080] =	vst v63  }
0x4a: {  	_ = 	snop  }
0x4b: {  	[tilespmem:s21], [sflag:$0x1] =	stream.indirect_vreg.gather [hbm4b:s1+s3], $0x80, v3, vm0, $0xb8;
	[tilespmem:$0x8080] =	vst v63  }
0x4c: {  	v3 =	vld [tilespmem:$0x50];
	_ =	sdelay $0x4  }
0x4d: {  	v61 =	vshll.u32 v3, $0x1  }
0x4e: {  	v3 =	vand.u32 $0x1, v3;
	v4 =	vand.u32 $0xFFFFFFFC, v61  }
0x4f: {  	v3 =	vor.u32 v3, v4  }
0x50: {  	v4 =	vperm.xlane v3, v0;
	_ =	sdelay $0x1  }
0x51: {  	v3 =	vperm.xlane v3, v2;
	v4 =	vadd.s32 v1, v4;
	_ =	sdelay $0x1  }
0x52: {  	v3 =	vadd.s32 v1, v3;
	_ =	sdelay $0x2  }
0x53: {  	[tilespmem:s22], [sflag:$0x1] =	stream.indirect_vreg.gather [hbm4b:s1+s3], $0x80, v4, vm0, $0xb8;
	[tilespmem:$0x8080] =	vst v63  }
0x54: {  	_ = 	snop  }
0x55: {  	[tilespmem:s23], [sflag:$0x1] =	stream.indirect_vreg.gather [hbm4b:s1+s3], $0x80, v3, vm0, $0xb8;
	[tilespmem:$0x8080] =	vst v63  }
0x56: {  	v3 =	vld [tilespmem:$0x60];
	_ =	sdelay $0x4  }
0x57: {  	v62 =	vshll.u32 v3, $0x1  }
0x58: {  	v3 =	vand.u32 $0x1, v3;
	v4 =	vand.u32 $0xFFFFFFFC, v62  }
0x59: {  	v3 =	vor.u32 v3, v4  }
0x5a: {  	v4 =	vperm.xlane v3, v0;
	_ =	sdelay $0x1  }
0x5b: {  	v3 =	vperm.xlane v3, v2;
	v4 =	vadd.s32 v1, v4;
	_ =	sdelay $0x1  }
0x5c: {  	v3 =	vadd.s32 v1, v3;
	_ =	sdelay $0x2  }
0x5d: {  	[tilespmem:s24], [sflag:$0x1] =	stream.indirect_vreg.gather [hbm4b:s1+s3], $0x80, v4, vm0, $0xb8;
	[tilespmem:$0x8080] =	vst v63  }
0x5e: {  	_ = 	snop  }
0x5f: {  	[tilespmem:s25], [sflag:$0x1] =	stream.indirect_vreg.gather [hbm4b:s1+s3], $0x80, v3, vm0, $0xb8;
	[tilespmem:$0x8080] =	vst v63  }
0x60: {  	v3 =	vld [tilespmem:$0x70];
	_ =	sdelay $0x4  }
0x61: {  	v63 =	vshll.u32 v3, $0x1  }
0x62: {  	v3 =	vand.u32 $0x1, v3;
	v4 =	vand.u32 $0xFFFFFFFC, v63  }
0x63: {  	v3 =	vor.u32 v3, v4  }
0x64: {  	v4 =	vperm.xlane v3, v0;
	_ =	sdelay $0x1  }
0x65: {  	v3 =	vperm.xlane v3, v2;
	v4 =	vadd.s32 v1, v4;
	_ =	sdelay $0x1  }
0x66: {  	v3 =	vadd.s32 v1, v3;
	_ =	sdelay $0x2  }
0x67: {  	[tilespmem:s26], [sflag:$0x1] =	stream.indirect_vreg.gather [hbm4b:s1+s3], $0x80, v4, vm0, $0xb8;
	[tilespmem:$0x8080] =	vst v63  }
0x68: {  	_ = 	snop  }
0x69: {  	[tilespmem:s28], [sflag:$0x1] =	stream.indirect_vreg.gather [hbm4b:s1+s3], $0x80, v3, vm0, $0xb8;
	[tilespmem:$0x8080] =	vst v63  }
0x6a: {  	_ =	swait.ge [sflag:s29], $0x8000  }
0x6b: {  	[sflag:s29] =	ssyncset.done $0x0  }
0x6c: {  	[sflag:s29] =	ssyncadd.s32 $0xFFFF8000  }
0x6d: {  	[hbm4b:s4+s30] =	stream.strided.scatter [tilespmem:s14], [sflag:$0x2], $0x8000, s31, s30, $0x38;
	[tilespmem:$0x8080] =	vst v63  }
0x6e: {  	_ = 	snop  }
0x6f: {  	[hbm4b:s5+s30] =	stream.strided.scatter [tilespmem:s14], [sflag:$0x2], $0x8000, s31, s30, $0x38;
	[tilespmem:$0x8080] =	vst v63  }
0x70: {  	_ = 	snop  }
0x71: {  	[hbm4b:s6+s30] =	stream.strided.scatter [tilespmem:s14], [sflag:$0x2], $0x8000, s31, s30, $0x38;
	[tilespmem:$0x8080] =	vst v63  }
0x72: {  	_ = 	snop  }
0x73: {  	[hbm4b:s7+s30] =	stream.strided.scatter [tilespmem:s14], [sflag:$0x2], $0x8000, s31, s30, $0x38;
	[tilespmem:$0x8080] =	vst v63  }
0x74: {  	_ = 	snop  }
0x75: {  	[hbm4b:s8+s30] =	stream.strided.scatter [tilespmem:s14], [sflag:$0x2], $0x8000, s31, s30, $0x38;
	[tilespmem:$0x8080] =	vst v63  }
0x76: {  	_ = 	snop  }
0x77: {  	[hbm4b:s9+s30] =	stream.strided.scatter [tilespmem:s14], [sflag:$0x2], $0x8000, s31, s30, $0x38;
	[tilespmem:$0x8080] =	vst v63  }
0x78: {  	_ = 	snop  }
0x79: {  	[hbm4b:s10+s30] =	stream.strided.scatter [tilespmem:s14], [sflag:$0x2], $0x8000, s31, s30, $0x38;
	[tilespmem:$0x8080] =	vst v63  }
0x7a: {  	_ = 	snop  }
0x7b: {  	[hbm4b:s11+s30] =	stream.strided.scatter [tilespmem:s14], [sflag:$0x2], $0x8000, s31, s30, $0x38;
	[tilespmem:$0x8080] =	vst v63  }
0x7c: {  	_ = 	snop  }
0x7d: {  	[hbm4b:s4+s30] =	stream.strided.scatter [tilespmem:s14], [sflag:$0x2], $0x8000, s31, s30, $0x38;
	[tilespmem:$0x8080] =	vst v63  }
0x7e: {  	_ = 	snop  }
0x7f: {  	[hbm4b:s5+s30] =	stream.strided.scatter [tilespmem:s14], [sflag:$0x2], $0x8000, s31, s30, $0x38;
	[tilespmem:$0x8080] =	vst v63  }
0x80: {  	_ = 	snop  }
0x81: {  	[hbm4b:s6+s30] =	stream.strided.scatter [tilespmem:s14], [sflag:$0x2], $0x8000, s31, s30, $0x38;
	[tilespmem:$0x8080] =	vst v63  }
0x82: {  	_ = 	snop  }
0x83: {  	[hbm4b:s7+s30] =	stream.strided.scatter [tilespmem:s14], [sflag:$0x2], $0x8000, s31, s30, $0x38;
	[tilespmem:$0x8080] =	vst v63  }
0x84: {  	_ = 	snop  }
0x85: {  	[hbm4b:s8+s30] =	stream.strided.scatter [tilespmem:s14], [sflag:$0x2], $0x8000, s31, s30, $0x38;
	[tilespmem:$0x8080] =	vst v63  }
0x86: {  	_ = 	snop  }
0x87: {  	[hbm4b:s9+s30] =	stream.strided.scatter [tilespmem:s14], [sflag:$0x2], $0x8000, s31, s30, $0x38;
	[tilespmem:$0x8080] =	vst v63  }
0x88: {  	_ = 	snop  }
0x89: {  	[hbm4b:s10+s30] =	stream.strided.scatter [tilespmem:s14], [sflag:$0x2], $0x8000, s31, s30, $0x38;
	[tilespmem:$0x8080] =	vst v63  }
0x8a: {  	_ = 	snop  }
0x8b: {  	[hbm4b:s11+s30] =	stream.strided.scatter [tilespmem:s14], [sflag:$0x2], $0x8000, s31, s30, $0x38;
	[tilespmem:$0x8080] =	vst v63  }
0x8c: {  	_ =	swait.ge [sflag:s2], $0x8000  }
0x8d: {  	[sflag:s2] =	ssyncset.done $0x0  }
0x8e: {  	[sflag:s2] =	ssyncadd.s32 $0xFFFF8000  }
0x8f: {  	_ =	swait.ge [sflag:s2], $0x8000  }
0x90: {  	[sflag:s2] =	ssyncset.done $0x0  }
0x91: {  	[sflag:s2] =	ssyncadd.s32 $0xFFFF8000  }
0x92: {  	_ =	swait.ge [sflag:s2], $0x8000  }
0x93: {  	[sflag:s2] =	ssyncset.done $0x0  }
0x94: {  	[sflag:s2] =	ssyncadd.s32 $0xFFFF8000  }
0x95: {  	_ =	swait.ge [sflag:s2], $0x8000  }
0x96: {  	[sflag:s2] =	ssyncset.done $0x0  }
0x97: {  	[sflag:s2] =	ssyncadd.s32 $0xFFFF8000  }
0x98: {  	_ =	swait.ge [sflag:s2], $0x8000  }
0x99: {  	[sflag:s2] =	ssyncset.done $0x0  }
0x9a: {  	[sflag:s2] =	ssyncadd.s32 $0xFFFF8000  }
0x9b: {  	_ =	swait.ge [sflag:s2], $0x8000  }
0x9c: {  	[sflag:s2] =	ssyncset.done $0x0  }
0x9d: {  	[sflag:s2] =	ssyncadd.s32 $0xFFFF8000  }
0x9e: {  	p0 =	sne.s32 s12, $0x1;
	_ =	swait.ge [sflag:s2], $0x8000  }
.Ltmp0:
0x9f: {  	[sflag:s2] =	ssyncset.done $0x0;
	(pc) =	sbr.rel @p0 .LBB2_1-.Ltmp0, $4  }
0xa0: {  	[sflag:s2] =	ssyncadd.s32 $0xFFFF8000  }
0xa1: {  	_ =	swait.ge [sflag:s2], $0x8000  }
0xa2: {  	[sflag:s2] =	ssyncset.done $0x0  }
0xa3: {  	s12 =	sadd.s32 $0xFFFFFFFF, s12;
	[sflag:s2] =	ssyncadd.s32 $0xFFFF8000  }
0xa4: {  	_ =	sfence.sel $0x180000  }
0xa5: {  	[bflag:$0x0] =	sbarrier.arrive $0xFFFF  }
0xa6: {  	_ =	strace $0x90000047  }
0xa7: {  	s0 =	stileid.u32;
	[bflag:$0x2] =	sbarrier.arrive $0xFFFF  }
0xa8: {  	p0 =	sne.s32 s0, $0x0;
	s0 =	rddreg [dreg:$0x3]  }
0xa9: {  	s0 =	sadd.s32 @!p0 $0x100000, s0  }
0xaa: {  	[sflag:s0] =	ssyncadd.tile.s32 @!p0 $0x1;
	_ =	shalt  }
.Lfunc_end2:
_tile_overlayer_lowered:
.L_overlay_start_2:
0xab: {  	(tag) =	ssettag $0x2  }
0xac: {  	s0 =	rddreg [dreg:$0x0];
	s2 =	stileid.u32  }
0xad: {  	s1 =	rddreg [dreg:$0x1];
	p0 =	sne.s32 s2, $0x0  }
0xae: {  	s3 =	rddreg [dreg:$0x2];
	[bflag:$0x3] =	sbarrier.arrive $0xFFFF;
	s2 =	simm.s32 @!p0 $0x1C03  }
0xaf: {  	[timem:s3], [sflag:s2] =	dma.local @!p0 [hbm:s0], s1  }
0xb0: {  	s0 =	simm.s32 @!p0 $0x3  }
0xb1: {  	_ =	swait.ge @!p0 [sflag:s0], s1  }
0xb2: {  	s1 =	ssub.s32 @!p0 $0x0, s1;
	[sflag:s0] =	ssyncset.done @!p0 $0x0  }
0xb3: {  	[sflag:s0] =	ssyncadd.s32 @!p0 s1  }
0xb4: {  	[bflag:$0x3] =	sbarrier.arrive $0xFFFF  }
0xb5: {  	_ =	shalt  }

</sc_bundles>
